<compile_context>
chip_gen: v7x
topology: tpu7x:2x2x1
jax: 0.10.2.dev20260603
libtpu: 0.0.44.dev20260713+nightly
codegen_flags: <defaults>
</compile_context>

<pallas_src>
import functools

import jax
import jax.numpy as jnp
from jax.experimental import pallas as pl
from jax.experimental.pallas import tpu as pltpu
from jax.experimental.pallas import tpu_sc as plsc

_ROWS = 2048
_NC, _NS = 2, 16
_NW = _NC * _NS
_CHUNK = 128


def _tc_body(emb_ref, tbl_ref, idx_ref, sm_ref):
    x = emb_ref[...]
    n = x.shape[-1]
    m = jnp.max(x, axis=-1, keepdims=True)
    iota = jax.lax.broadcasted_iota(jnp.int32, x.shape, 1)
    idx_ref[...] = jnp.min(jnp.where(x == m, iota, n), axis=-1)

    @pl.when(pl.program_id(0) == 0)
    def _():
        t = tbl_ref[...]
        e = jnp.exp(t - jnp.max(t, axis=-1, keepdims=True))
        s = e / jnp.sum(e, axis=-1, keepdims=True)
        sm_ref[...] = jnp.concatenate([s, jnp.zeros_like(s)], axis=-1)


def _argmax_and_softmax(embedding, table, interpret=False):
    b, n = embedding.shape
    return pl.pallas_call(
        _tc_body,
        grid=(b // _ROWS,),
        in_specs=[
            pl.BlockSpec((_ROWS, n), lambda i: (i, 0)),
            pl.BlockSpec(table.shape, lambda i: (0, 0)),
        ],
        out_specs=[
            pl.BlockSpec((_ROWS,), lambda i: (i,)),
            pl.BlockSpec((table.shape[0], 2 * table.shape[1]), lambda i: (0, 0)),
        ],
        out_shape=[
            jax.ShapeDtypeStruct((b,), jnp.int32),
            jax.ShapeDtypeStruct((table.shape[0], 2 * table.shape[1]), table.dtype),
        ],
        interpret=interpret,
    )(embedding, table)


def _sc_gather(sm_table, indices):
    b = indices.shape[0]
    d = sm_table.shape[1] // 2
    bpw = b // _NW
    nchunks = bpw // _CHUNK
    mesh = plsc.VectorSubcoreMesh(core_axis_name="c", subcore_axis_name="s")

    @functools.partial(
        pl.kernel,
        mesh=mesh,
        out_type=jax.ShapeDtypeStruct((b, d), sm_table.dtype),
        scratch_types=[
            pltpu.VMEM((bpw,), jnp.int32),
            pltpu.VMEM((_CHUNK, 2 * d), jnp.float32),
            pltpu.VMEM((_CHUNK, 2 * d), jnp.float32),
            pltpu.VMEM((_CHUNK, 2 * d), jnp.float32),
            pltpu.VMEM((_CHUNK, 2 * d), jnp.float32),
            pltpu.VMEM((_CHUNK, d), jnp.float32),
            pltpu.VMEM((_CHUNK, d), jnp.float32),
            pltpu.VMEM_SHARED(sm_table.shape, jnp.float32),
            pltpu.SemaphoreType.DMA,
            pltpu.SemaphoreType.DMA,
            pltpu.SemaphoreType.DMA,
            pltpu.SemaphoreType.DMA,
            pltpu.SemaphoreType.DMA,
            pltpu.SemaphoreType.DMA,
            pltpu.SemaphoreType.DMA,
        ],
    )
    def gather_kernel(tbl_hbm, idx_hbm, out_hbm, idx_v, rows_a, rows_b,
                      rows_c, rows_d, out_a, out_b, tbl_sh,
                      sem_a, sem_b, sem_c, sem_d, sem_oa, sem_ob, sem_t):
        wid = jax.lax.axis_index("s") * _NC + jax.lax.axis_index("c")
        base = wid * bpw

        tbl_copy = pltpu.make_async_copy(tbl_hbm, tbl_sh, sem_t)

        @pl.when(jax.lax.axis_index("s") == 0)
        def _():
            tbl_copy.start()

        pltpu.sync_copy(idx_hbm.at[pl.ds(base, bpw)], idx_v)

        @pl.when(jax.lax.axis_index("s") == 0)
        def _():
            tbl_copy.wait()

        plsc.subcore_barrier()

        bufs = [(rows_a, sem_a), (rows_b, sem_b), (rows_c, sem_c), (rows_d, sem_d)]
        obufs = [(out_a, sem_oa), (out_b, sem_ob)]
        copies = [
            pltpu.make_async_copy(
                tbl_sh.at[idx_v.at[pl.ds(c * _CHUNK, _CHUNK)]], bufs[c % 4][0],
                bufs[c % 4][1],
            )
            for c in range(nchunks)
        ]
        ocopies = [
            pltpu.make_async_copy(
                obufs[c % 2][0],
                out_hbm.at[pl.ds(base + c * _CHUNK, _CHUNK)],
                obufs[c % 2][1],
            )
            for c in range(nchunks)
        ]
        for c in range(min(nchunks, 4)):
            copies[c].start()
        for c in range(nchunks):
            if c + 4 < nchunks:
                copies[c + 4].start()
            copies[c].wait()
            if c >= 2:
                ocopies[c - 2].wait()
            rows_v = bufs[c % 4][0]
            out_v = obufs[c % 2][0]

            @pl.loop(0, _CHUNK)
            def _(r):
                for q in range(d // 16):
                    slc = (pl.ds(r, 1), pl.ds(16 * q, 16))
                    out_v.at[*slc][...] = rows_v.at[*slc][...]

            ocopies[c].start()
        for c in range(max(nchunks - 2, 0), nchunks):
            ocopies[c].wait()

    return gather_kernel(sm_table, indices)


def kernel(embedding, table):
    idx, sm_table = _argmax_and_softmax(embedding, table)
    return _sc_gather(sm_table, idx)

# --- scband reference (transcript-rebuilt; emitter-appended) ---
"""Pipeline reference for scband-task-encoder-66383014527291 (READ-ONLY COPY).

The authoritative reference and input builder live on the scoring server;
editing this copy changes nothing except your own understanding.
"""

import jax, jax.numpy as jnp
import numpy as np

BATCH = 16384
INPUT_SIZE = 1000
OUTPUT_DIM = 64


def setup_inputs(seed: int = 0) -> dict:
    key = jax.random.key(seed)
    k_emb, k_tbl = jax.random.split(key)
    embedding = jax.random.normal(k_emb, (BATCH, INPUT_SIZE), dtype=jnp.float32)
    # nn.Embedding weight, initialized with torch.nn.init.normal_ (std=1.0)
    table = jax.random.normal(k_tbl, (INPUT_SIZE, OUTPUT_DIM), dtype=jnp.float32)
    return {"embedding": embedding, "table": table}


def reference(embedding, table):
    # indices = argmax over last dim
    indices = jnp.argmax(embedding, axis=-1)
    # embedding lookup (gather rows of the table)
    looked_up = jnp.take(table, indices, axis=0)
    # last activation: softmax over dim=-1
    return jax.nn.softmax(looked_up, axis=-1)

if __name__ == "__main__":
    import jax
    _d = setup_inputs()
    print(jax.jit(kernel)(*tuple(_d.values())))

</pallas_src>

<mosaic_0001>
#map = affine_map<(d0, d1) -> (0, 0)>
#map1 = affine_map<(d0, d1) -> (0)>
module attributes {stable_mosaic.version = 14 : i64} {
  func.func @gather_kernel(%arg0: i32, %arg1: i32, %arg2: memref<1000x128xf32, #tpu.memory_space<hbm>>, %arg3: memref<16384xi32, #tpu.memory_space<hbm>>, %arg4: memref<16384x64xf32, #tpu.memory_space<hbm>>, %arg5: memref<512xi32, #tpu.memory_space<vmem>>, %arg6: memref<128x128xf32, #tpu.memory_space<vmem>>, %arg7: memref<128x128xf32, #tpu.memory_space<vmem>>, %arg8: memref<128x128xf32, #tpu.memory_space<vmem>>, %arg9: memref<128x128xf32, #tpu.memory_space<vmem>>, %arg10: memref<128x64xf32, #tpu.memory_space<vmem>>, %arg11: memref<128x64xf32, #tpu.memory_space<vmem>>, %arg12: memref<1000x128xf32, #tpu.memory_space<vmem_shared>>, %arg13: memref<!tpu.dma_semaphore, #tpu.memory_space<semaphore_mem>>, %arg14: memref<!tpu.dma_semaphore, #tpu.memory_space<semaphore_mem>>, %arg15: memref<!tpu.dma_semaphore, #tpu.memory_space<semaphore_mem>>, %arg16: memref<!tpu.dma_semaphore, #tpu.memory_space<semaphore_mem>>, %arg17: memref<!tpu.dma_semaphore, #tpu.memory_space<semaphore_mem>>, %arg18: memref<!tpu.dma_semaphore, #tpu.memory_space<semaphore_mem>>, %arg19: memref<!tpu.dma_semaphore, #tpu.memory_space<semaphore_mem>>) attributes {dimension_semantics = [#tpu.dimension_semantics<core_parallel>, #tpu.dimension_semantics<subcore_parallel>], iteration_bounds = array<i64: 2, 16>, scalar_prefetch = 0 : i64, scratch_operands = 15 : i64, tpu.core_type = #tpu.core_type<sc_vector_subcore>, window_params = [{transform_indices = #map}, {transform_indices = #map1}, {transform_indices = #map}]} {
    %mul3A = arith.constant 2 : i32
    %mul3A_0 = arith.muli %arg1, %mul3A : i32
    %add3A = arith.addi %mul3A_0, %arg0 : i32
    %mul3A_1 = arith.constant 512 : i32
    %mul3A_2 = arith.muli %add3A, %mul3A_1 : i32
    %eq3A = arith.constant 0 : i32
    %eq3A_3 = arith.cmpi eq, %arg1, %eq3A : i32
    %convert_element_type3A = arith.extui %eq3A_3 : i1 to i32
    %cond3A = arith.constant 0 : i32
    %cond3A_4 = arith.cmpi ne, %convert_element_type3A, %cond3A : i32
    scf.if %cond3A_4 {
      tpu.enqueue_dma source(%arg2 : memref<1000x128xf32, #tpu.memory_space<hbm>>) target(%arg12 : memref<1000x128xf32, #tpu.memory_space<vmem_shared>>) target_semaphore(%arg19 : memref<!tpu.dma_semaphore, #tpu.memory_space<semaphore_mem>>)
    } else {
    }
    "tpu.region"() ({
      %run_scoped3A = tpu.sem_alloc : memref<!tpu.dma_semaphore, #tpu.memory_space<semaphore_mem>>
      %dma_start3A_107 = tpu.memref_slice %arg3[%mul3A_2] : memref<16384xi32, #tpu.memory_space<hbm>> -> memref<512xi32, #tpu.memory_space<hbm>>
      %dma_start3A_108 = tpu.memref_slice %arg3[%mul3A_2] : memref<16384xi32, #tpu.memory_space<hbm>> -> memref<512xi32, #tpu.memory_space<hbm>>
      tpu.enqueue_dma source(%dma_start3A_108 : memref<512xi32, #tpu.memory_space<hbm>>) target(%arg5 : memref<512xi32, #tpu.memory_space<vmem>>) target_semaphore(%run_scoped3A : memref<!tpu.dma_semaphore, #tpu.memory_space<semaphore_mem>>)
      %dma_wait3A_109 = tpu.memref_slice %arg3[%mul3A_2] : memref<16384xi32, #tpu.memory_space<hbm>> -> memref<512xi32, #tpu.memory_space<hbm>>
      %dma_wait3A_110 = tpu.memref_slice %arg3[%mul3A_2] : memref<16384xi32, #tpu.memory_space<hbm>> -> memref<512xi32, #tpu.memory_space<hbm>>
      tpu.wait_dma2 semaphore(%run_scoped3A : memref<!tpu.dma_semaphore, #tpu.memory_space<semaphore_mem>>) src(%dma_wait3A_110 : memref<512xi32, #tpu.memory_space<hbm>>) dst(%arg5 : memref<512xi32, #tpu.memory_space<vmem>>)
      tpu.yield
    }) : () -> ()
    %eq3A_5 = arith.constant 0 : i32
    %eq3A_6 = arith.cmpi eq, %arg1, %eq3A_5 : i32
    %convert_element_type3A_7 = arith.extui %eq3A_6 : i1 to i32
    %cond3A_8 = arith.constant 0 : i32
    %cond3A_9 = arith.cmpi ne, %convert_element_type3A_7, %cond3A_8 : i32
    scf.if %cond3A_9 {
      tpu.wait_dma2 semaphore(%arg19 : memref<!tpu.dma_semaphore, #tpu.memory_space<semaphore_mem>>) src(%arg2 : memref<1000x128xf32, #tpu.memory_space<hbm>>) dst(%arg12 : memref<1000x128xf32, #tpu.memory_space<vmem_shared>>)
    } else {
    }
    %barrier3A = arith.constant 0 : index
    tpu.barrier barrier_id(%barrier3A)
    %add3A_10 = arith.constant 0 : i32
    %add3A_11 = arith.addi %mul3A_2, %add3A_10 : i32
    %add3A_12 = arith.constant 128 : i32
    %add3A_13 = arith.addi %mul3A_2, %add3A_12 : i32
    %add3A_14 = arith.constant 256 : i32
    %add3A_15 = arith.addi %mul3A_2, %add3A_14 : i32
    %add3A_16 = arith.constant 384 : i32
    %add3A_17 = arith.addi %mul3A_2, %add3A_16 : i32
    %dma_start3A = arith.constant 0 : i32
    %dma_start3A_18 = tpu.memref_slice %arg5[%dma_start3A] : memref<512xi32, #tpu.memory_space<vmem>> -> memref<128xi32, #tpu.memory_space<vmem>>
    %dma_start3A_19 = arith.constant 0 : i32
    %dma_start3A_20 = arith.constant 0 : i32
    %dma_start3A_21 = tpu.memref_slice %arg12[%dma_start3A_19, %dma_start3A_20] : memref<1000x128xf32, #tpu.memory_space<vmem_shared>> -> memref<1000x128xf32, #tpu.memory_space<vmem_shared>>
    tpu.enqueue_indirect_dma source(%dma_start3A_21 : memref<1000x128xf32, #tpu.memory_space<vmem_shared>>) target(%arg6 : memref<128x128xf32, #tpu.memory_space<vmem>>) offsets(%dma_start3A_18 : memref<128xi32, #tpu.memory_space<vmem>>) semaphore(%arg13 : memref<!tpu.dma_semaphore, #tpu.memory_space<semaphore_mem>>)
    %dma_start3A_22 = arith.constant 128 : i32
    %dma_start3A_23 = tpu.memref_slice %arg5[%dma_start3A_22] : memref<512xi32, #tpu.memory_space<vmem>> -> memref<128xi32, #tpu.memory_space<vmem>>
    %dma_start3A_24 = arith.constant 0 : i32
    %dma_start3A_25 = arith.constant 0 : i32
    %dma_start3A_26 = tpu.memref_slice %arg12[%dma_start3A_24, %dma_start3A_25] : memref<1000x128xf32, #tpu.memory_space<vmem_shared>> -> memref<1000x128xf32, #tpu.memory_space<vmem_shared>>
    tpu.enqueue_indirect_dma source(%dma_start3A_26 : memref<1000x128xf32, #tpu.memory_space<vmem_shared>>) target(%arg7 : memref<128x128xf32, #tpu.memory_space<vmem>>) offsets(%dma_start3A_23 : memref<128xi32, #tpu.memory_space<vmem>>) semaphore(%arg14 : memref<!tpu.dma_semaphore, #tpu.memory_space<semaphore_mem>>)
    %dma_start3A_27 = arith.constant 256 : i32
    %dma_start3A_28 = tpu.memref_slice %arg5[%dma_start3A_27] : memref<512xi32, #tpu.memory_space<vmem>> -> memref<128xi32, #tpu.memory_space<vmem>>
    %dma_start3A_29 = arith.constant 0 : i32
    %dma_start3A_30 = arith.constant 0 : i32
    %dma_start3A_31 = tpu.memref_slice %arg12[%dma_start3A_29, %dma_start3A_30] : memref<1000x128xf32, #tpu.memory_space<vmem_shared>> -> memref<1000x128xf32, #tpu.memory_space<vmem_shared>>
    tpu.enqueue_indirect_dma source(%dma_start3A_31 : memref<1000x128xf32, #tpu.memory_space<vmem_shared>>) target(%arg8 : memref<128x128xf32, #tpu.memory_space<vmem>>) offsets(%dma_start3A_28 : memref<128xi32, #tpu.memory_space<vmem>>) semaphore(%arg15 : memref<!tpu.dma_semaphore, #tpu.memory_space<semaphore_mem>>)
    %dma_start3A_32 = arith.constant 384 : i32
    %dma_start3A_33 = tpu.memref_slice %arg5[%dma_start3A_32] : memref<512xi32, #tpu.memory_space<vmem>> -> memref<128xi32, #tpu.memory_space<vmem>>
    %dma_start3A_34 = arith.constant 0 : i32
    %dma_start3A_35 = arith.constant 0 : i32
    %dma_start3A_36 = tpu.memref_slice %arg12[%dma_start3A_34, %dma_start3A_35] : memref<1000x128xf32, #tpu.memory_space<vmem_shared>> -> memref<1000x128xf32, #tpu.memory_space<vmem_shared>>
    tpu.enqueue_indirect_dma source(%dma_start3A_36 : memref<1000x128xf32, #tpu.memory_space<vmem_shared>>) target(%arg9 : memref<128x128xf32, #tpu.memory_space<vmem>>) offsets(%dma_start3A_33 : memref<128xi32, #tpu.memory_space<vmem>>) semaphore(%arg16 : memref<!tpu.dma_semaphore, #tpu.memory_space<semaphore_mem>>)
    %dma_wait3A = arith.constant 0 : i32
    %dma_wait3A_37 = tpu.memref_slice %arg5[%dma_wait3A] : memref<512xi32, #tpu.memory_space<vmem>> -> memref<128xi32, #tpu.memory_space<vmem>>
    %dma_wait3A_38 = arith.constant 0 : i32
    %dma_wait3A_39 = arith.constant 0 : i32
    %dma_wait3A_40 = tpu.memref_slice %arg12[%dma_wait3A_38, %dma_wait3A_39] : memref<1000x128xf32, #tpu.memory_space<vmem_shared>> -> memref<1000x128xf32, #tpu.memory_space<vmem_shared>>
    tpu.wait_indirect_dma semaphore(%arg13 : memref<!tpu.dma_semaphore, #tpu.memory_space<semaphore_mem>>) src(%dma_wait3A_40 : memref<1000x128xf32, #tpu.memory_space<vmem_shared>>) dst(%arg6 : memref<128x128xf32, #tpu.memory_space<vmem>>)
    %scan3A = arith.constant 0 : i32
    %scan3A_41 = arith.constant 128 : i32
    %scan3A_42 = arith.addi %scan3A, %scan3A_41 : i32
    %scan3A_43 = arith.constant 1 : i32
    scf.for %scan3A_107 = %scan3A to %scan3A_42 step %scan3A_43  : i32 {
      %mul3A_108 = arith.constant 1 : i32
      %mul3A_109 = arith.muli %scan3A_107, %mul3A_108 : i32
      %add3A_110 = arith.constant 0 : i32
      %add3A_111 = arith.addi %add3A_110, %mul3A_109 : i32
      %get3A = arith.index_cast %add3A_111 : i32 to index
      %get3A_112 = arith.constant 0 : index
      %get3A_113 = tpu.vector_load %arg6[%get3A, %get3A_112] {strides = array<i32>} : memref<128x128xf32, #tpu.memory_space<vmem>>, vector<1x16xf32>,
      %get3A_114 = vector.shape_cast %get3A_113 : vector<1x16xf32> to vector<1x16xf32>
      %swap3A = arith.index_cast %add3A_111 : i32 to index
      %swap3A_115 = arith.constant 0 : index
      %swap3A_116 = tpu.vector_load %arg10[%swap3A, %swap3A_115] {strides = array<i32>} : memref<128x64xf32, #tpu.memory_space<vmem>>, vector<1x16xf32>,
      %swap3A_117 = vector.shape_cast %swap3A_116 : vector<1x16xf32> to vector<1x16xf32>
      %swap3A_118 = vector.shape_cast %get3A_114 : vector<1x16xf32> to vector<1x16xf32>
      tpu.vector_store %arg10[%swap3A, %swap3A_115], %swap3A_118 {strides = array<i32>} : memref<128x64xf32, #tpu.memory_space<vmem>>, vector<1x16xf32>,
      %get3A_119 = arith.index_cast %add3A_111 : i32 to index
      %get3A_120 = arith.constant 16 : index
      %get3A_121 = tpu.vector_load %arg6[%get3A_119, %get3A_120] {strides = array<i32>} : memref<128x128xf32, #tpu.memory_space<vmem>>, vector<1x16xf32>,
      %get3A_122 = vector.shape_cast %get3A_121 : vector<1x16xf32> to vector<1x16xf32>
      %swap3A_123 = arith.index_cast %add3A_111 : i32 to index
      %swap3A_124 = arith.constant 16 : index
      %swap3A_125 = tpu.vector_load %arg10[%swap3A_123, %swap3A_124] {strides = array<i32>} : memref<128x64xf32, #tpu.memory_space<vmem>>, vector<1x16xf32>,
      %swap3A_126 = vector.shape_cast %swap3A_125 : vector<1x16xf32> to vector<1x16xf32>
      %swap3A_127 = vector.shape_cast %get3A_122 : vector<1x16xf32> to vector<1x16xf32>
      tpu.vector_store %arg10[%swap3A_123, %swap3A_124], %swap3A_127 {strides = array<i32>} : memref<128x64xf32, #tpu.memory_space<vmem>>, vector<1x16xf32>,
      %get3A_128 = arith.index_cast %add3A_111 : i32 to index
      %get3A_129 = arith.constant 32 : index
      %get3A_130 = tpu.vector_load %arg6[%get3A_128, %get3A_129] {strides = array<i32>} : memref<128x128xf32, #tpu.memory_space<vmem>>, vector<1x16xf32>,
      %get3A_131 = vector.shape_cast %get3A_130 : vector<1x16xf32> to vector<1x16xf32>
      %swap3A_132 = arith.index_cast %add3A_111 : i32 to index
      %swap3A_133 = arith.constant 32 : index
      %swap3A_134 = tpu.vector_load %arg10[%swap3A_132, %swap3A_133] {strides = array<i32>} : memref<128x64xf32, #tpu.memory_space<vmem>>, vector<1x16xf32>,
      %swap3A_135 = vector.shape_cast %swap3A_134 : vector<1x16xf32> to vector<1x16xf32>
      %swap3A_136 = vector.shape_cast %get3A_131 : vector<1x16xf32> to vector<1x16xf32>
      tpu.vector_store %arg10[%swap3A_132, %swap3A_133], %swap3A_136 {strides = array<i32>} : memref<128x64xf32, #tpu.memory_space<vmem>>, vector<1x16xf32>,
      %get3A_137 = arith.index_cast %add3A_111 : i32 to index
      %get3A_138 = arith.constant 48 : index
      %get3A_139 = tpu.vector_load %arg6[%get3A_137, %get3A_138] {strides = array<i32>} : memref<128x128xf32, #tpu.memory_space<vmem>>, vector<1x16xf32>,
      %get3A_140 = vector.shape_cast %get3A_139 : vector<1x16xf32> to vector<1x16xf32>
      %swap3A_141 = arith.index_cast %add3A_111 : i32 to index
      %swap3A_142 = arith.constant 48 : index
      %swap3A_143 = tpu.vector_load %arg10[%swap3A_141, %swap3A_142] {strides = array<i32>} : memref<128x64xf32, #tpu.memory_space<vmem>>, vector<1x16xf32>,
      %swap3A_144 = vector.shape_cast %swap3A_143 : vector<1x16xf32> to vector<1x16xf32>
      %swap3A_145 = vector.shape_cast %get3A_140 : vector<1x16xf32> to vector<1x16xf32>
      tpu.vector_store %arg10[%swap3A_141, %swap3A_142], %swap3A_145 {strides = array<i32>} : memref<128x64xf32, #tpu.memory_space<vmem>>, vector<1x16xf32>,
    }
    %scan3A_44 = arith.constant 128 : i32
    %dma_start3A_45 = arith.constant 0 : i32
    %dma_start3A_46 = tpu.memref_slice %arg4[%add3A_11, %dma_start3A_45] : memref<16384x64xf32, #tpu.memory_space<hbm>> -> memref<128x64xf32, #tpu.memory_space<hbm>>
    %dma_start3A_47 = arith.constant 0 : i32
    %dma_start3A_48 = tpu.memref_slice %arg4[%add3A_11, %dma_start3A_47] : memref<16384x64xf32, #tpu.memory_space<hbm>> -> memref<128x64xf32, #tpu.memory_space<hbm>>
    tpu.enqueue_dma source(%arg10 : memref<128x64xf32, #tpu.memory_space<vmem>>) target(%dma_start3A_48 : memref<128x64xf32, #tpu.memory_space<hbm>>) target_semaphore(%arg17 : memref<!tpu.dma_semaphore, #tpu.memory_space<semaphore_mem>>)
    %dma_wait3A_49 = arith.constant 128 : i32
    %dma_wait3A_50 = tpu.memref_slice %arg5[%dma_wait3A_49] : memref<512xi32, #tpu.memory_space<vmem>> -> memref<128xi32, #tpu.memory_space<vmem>>
    %dma_wait3A_51 = arith.constant 0 : i32
    %dma_wait3A_52 = arith.constant 0 : i32
    %dma_wait3A_53 = tpu.memref_slice %arg12[%dma_wait3A_51, %dma_wait3A_52] : memref<1000x128xf32, #tpu.memory_space<vmem_shared>> -> memref<1000x128xf32, #tpu.memory_space<vmem_shared>>
    tpu.wait_indirect_dma semaphore(%arg14 : memref<!tpu.dma_semaphore, #tpu.memory_space<semaphore_mem>>) src(%dma_wait3A_53 : memref<1000x128xf32, #tpu.memory_space<vmem_shared>>) dst(%arg7 : memref<128x128xf32, #tpu.memory_space<vmem>>)
    %scan3A_54 = arith.constant 0 : i32
    %scan3A_55 = arith.constant 128 : i32
    %scan3A_56 = arith.addi %scan3A_54, %scan3A_55 : i32
    %scan3A_57 = arith.constant 1 : i32
    scf.for %scan3A_107 = %scan3A_54 to %scan3A_56 step %scan3A_57  : i32 {
      %mul3A_108 = arith.constant 1 : i32
      %mul3A_109 = arith.muli %scan3A_107, %mul3A_108 : i32
      %add3A_110 = arith.constant 0 : i32
      %add3A_111 = arith.addi %add3A_110, %mul3A_109 : i32
      %get3A = arith.index_cast %add3A_111 : i32 to index
      %get3A_112 = arith.constant 0 : index
      %get3A_113 = tpu.vector_load %arg7[%get3A, %get3A_112] {strides = array<i32>} : memref<128x128xf32, #tpu.memory_space<vmem>>, vector<1x16xf32>,
      %get3A_114 = vector.shape_cast %get3A_113 : vector<1x16xf32> to vector<1x16xf32>
      %swap3A = arith.index_cast %add3A_111 : i32 to index
      %swap3A_115 = arith.constant 0 : index
      %swap3A_116 = tpu.vector_load %arg11[%swap3A, %swap3A_115] {strides = array<i32>} : memref<128x64xf32, #tpu.memory_space<vmem>>, vector<1x16xf32>,
      %swap3A_117 = vector.shape_cast %swap3A_116 : vector<1x16xf32> to vector<1x16xf32>
      %swap3A_118 = vector.shape_cast %get3A_114 : vector<1x16xf32> to vector<1x16xf32>
      tpu.vector_store %arg11[%swap3A, %swap3A_115], %swap3A_118 {strides = array<i32>} : memref<128x64xf32, #tpu.memory_space<vmem>>, vector<1x16xf32>,
      %get3A_119 = arith.index_cast %add3A_111 : i32 to index
      %get3A_120 = arith.constant 16 : index
      %get3A_121 = tpu.vector_load %arg7[%get3A_119, %get3A_120] {strides = array<i32>} : memref<128x128xf32, #tpu.memory_space<vmem>>, vector<1x16xf32>,
      %get3A_122 = vector.shape_cast %get3A_121 : vector<1x16xf32> to vector<1x16xf32>
      %swap3A_123 = arith.index_cast %add3A_111 : i32 to index
      %swap3A_124 = arith.constant 16 : index
      %swap3A_125 = tpu.vector_load %arg11[%swap3A_123, %swap3A_124] {strides = array<i32>} : memref<128x64xf32, #tpu.memory_space<vmem>>, vector<1x16xf32>,
      %swap3A_126 = vector.shape_cast %swap3A_125 : vector<1x16xf32> to vector<1x16xf32>
      %swap3A_127 = vector.shape_cast %get3A_122 : vector<1x16xf32> to vector<1x16xf32>
      tpu.vector_store %arg11[%swap3A_123, %swap3A_124], %swap3A_127 {strides = array<i32>} : memref<128x64xf32, #tpu.memory_space<vmem>>, vector<1x16xf32>,
      %get3A_128 = arith.index_cast %add3A_111 : i32 to index
      %get3A_129 = arith.constant 32 : index
      %get3A_130 = tpu.vector_load %arg7[%get3A_128, %get3A_129] {strides = array<i32>} : memref<128x128xf32, #tpu.memory_space<vmem>>, vector<1x16xf32>,
      %get3A_131 = vector.shape_cast %get3A_130 : vector<1x16xf32> to vector<1x16xf32>
      %swap3A_132 = arith.index_cast %add3A_111 : i32 to index
      %swap3A_133 = arith.constant 32 : index
      %swap3A_134 = tpu.vector_load %arg11[%swap3A_132, %swap3A_133] {strides = array<i32>} : memref<128x64xf32, #tpu.memory_space<vmem>>, vector<1x16xf32>,
      %swap3A_135 = vector.shape_cast %swap3A_134 : vector<1x16xf32> to vector<1x16xf32>
      %swap3A_136 = vector.shape_cast %get3A_131 : vector<1x16xf32> to vector<1x16xf32>
      tpu.vector_store %arg11[%swap3A_132, %swap3A_133], %swap3A_136 {strides = array<i32>} : memref<128x64xf32, #tpu.memory_space<vmem>>, vector<1x16xf32>,
      %get3A_137 = arith.index_cast %add3A_111 : i32 to index
      %get3A_138 = arith.constant 48 : index
      %get3A_139 = tpu.vector_load %arg7[%get3A_137, %get3A_138] {strides = array<i32>} : memref<128x128xf32, #tpu.memory_space<vmem>>, vector<1x16xf32>,
      %get3A_140 = vector.shape_cast %get3A_139 : vector<1x16xf32> to vector<1x16xf32>
      %swap3A_141 = arith.index_cast %add3A_111 : i32 to index
      %swap3A_142 = arith.constant 48 : index
      %swap3A_143 = tpu.vector_load %arg11[%swap3A_141, %swap3A_142] {strides = array<i32>} : memref<128x64xf32, #tpu.memory_space<vmem>>, vector<1x16xf32>,
      %swap3A_144 = vector.shape_cast %swap3A_143 : vector<1x16xf32> to vector<1x16xf32>
      %swap3A_145 = vector.shape_cast %get3A_140 : vector<1x16xf32> to vector<1x16xf32>
      tpu.vector_store %arg11[%swap3A_141, %swap3A_142], %swap3A_145 {strides = array<i32>} : memref<128x64xf32, #tpu.memory_space<vmem>>, vector<1x16xf32>,
    }
    %scan3A_58 = arith.constant 128 : i32
    %dma_start3A_59 = arith.constant 0 : i32
    %dma_start3A_60 = tpu.memref_slice %arg4[%add3A_13, %dma_start3A_59] : memref<16384x64xf32, #tpu.memory_space<hbm>> -> memref<128x64xf32, #tpu.memory_space<hbm>>
    %dma_start3A_61 = arith.constant 0 : i32
    %dma_start3A_62 = tpu.memref_slice %arg4[%add3A_13, %dma_start3A_61] : memref<16384x64xf32, #tpu.memory_space<hbm>> -> memref<128x64xf32, #tpu.memory_space<hbm>>
    tpu.enqueue_dma source(%arg11 : memref<128x64xf32, #tpu.memory_space<vmem>>) target(%dma_start3A_62 : memref<128x64xf32, #tpu.memory_space<hbm>>) target_semaphore(%arg18 : memref<!tpu.dma_semaphore, #tpu.memory_space<semaphore_mem>>)
    %dma_wait3A_63 = arith.constant 256 : i32
    %dma_wait3A_64 = tpu.memref_slice %arg5[%dma_wait3A_63] : memref<512xi32, #tpu.memory_space<vmem>> -> memref<128xi32, #tpu.memory_space<vmem>>
    %dma_wait3A_65 = arith.constant 0 : i32
    %dma_wait3A_66 = arith.constant 0 : i32
    %dma_wait3A_67 = tpu.memref_slice %arg12[%dma_wait3A_65, %dma_wait3A_66] : memref<1000x128xf32, #tpu.memory_space<vmem_shared>> -> memref<1000x128xf32, #tpu.memory_space<vmem_shared>>
    tpu.wait_indirect_dma semaphore(%arg15 : memref<!tpu.dma_semaphore, #tpu.memory_space<semaphore_mem>>) src(%dma_wait3A_67 : memref<1000x128xf32, #tpu.memory_space<vmem_shared>>) dst(%arg8 : memref<128x128xf32, #tpu.memory_space<vmem>>)
    %dma_wait3A_68 = arith.constant 0 : i32
    %dma_wait3A_69 = tpu.memref_slice %arg4[%add3A_11, %dma_wait3A_68] : memref<16384x64xf32, #tpu.memory_space<hbm>> -> memref<128x64xf32, #tpu.memory_space<hbm>>
    %dma_wait3A_70 = arith.constant 0 : i32
    %dma_wait3A_71 = tpu.memref_slice %arg4[%add3A_11, %dma_wait3A_70] : memref<16384x64xf32, #tpu.memory_space<hbm>> -> memref<128x64xf32, #tpu.memory_space<hbm>>
    tpu.wait_dma2 semaphore(%arg17 : memref<!tpu.dma_semaphore, #tpu.memory_space<semaphore_mem>>) src(%arg10 : memref<128x64xf32, #tpu.memory_space<vmem>>) dst(%dma_wait3A_71 : memref<128x64xf32, #tpu.memory_space<hbm>>)
    %scan3A_72 = arith.constant 0 : i32
    %scan3A_73 = arith.constant 128 : i32
    %scan3A_74 = arith.addi %scan3A_72, %scan3A_73 : i32
    %scan3A_75 = arith.constant 1 : i32
    scf.for %scan3A_107 = %scan3A_72 to %scan3A_74 step %scan3A_75  : i32 {
      %mul3A_108 = arith.constant 1 : i32
      %mul3A_109 = arith.muli %scan3A_107, %mul3A_108 : i32
      %add3A_110 = arith.constant 0 : i32
      %add3A_111 = arith.addi %add3A_110, %mul3A_109 : i32
      %get3A = arith.index_cast %add3A_111 : i32 to index
      %get3A_112 = arith.constant 0 : index
      %get3A_113 = tpu.vector_load %arg8[%get3A, %get3A_112] {strides = array<i32>} : memref<128x128xf32, #tpu.memory_space<vmem>>, vector<1x16xf32>,
      %get3A_114 = vector.shape_cast %get3A_113 : vector<1x16xf32> to vector<1x16xf32>
      %swap3A = arith.index_cast %add3A_111 : i32 to index
      %swap3A_115 = arith.constant 0 : index
      %swap3A_116 = tpu.vector_load %arg10[%swap3A, %swap3A_115] {strides = array<i32>} : memref<128x64xf32, #tpu.memory_space<vmem>>, vector<1x16xf32>,
      %swap3A_117 = vector.shape_cast %swap3A_116 : vector<1x16xf32> to vector<1x16xf32>
      %swap3A_118 = vector.shape_cast %get3A_114 : vector<1x16xf32> to vector<1x16xf32>
      tpu.vector_store %arg10[%swap3A, %swap3A_115], %swap3A_118 {strides = array<i32>} : memref<128x64xf32, #tpu.memory_space<vmem>>, vector<1x16xf32>,
      %get3A_119 = arith.index_cast %add3A_111 : i32 to index
      %get3A_120 = arith.constant 16 : index
      %get3A_121 = tpu.vector_load %arg8[%get3A_119, %get3A_120] {strides = array<i32>} : memref<128x128xf32, #tpu.memory_space<vmem>>, vector<1x16xf32>,
      %get3A_122 = vector.shape_cast %get3A_121 : vector<1x16xf32> to vector<1x16xf32>
      %swap3A_123 = arith.index_cast %add3A_111 : i32 to index
      %swap3A_124 = arith.constant 16 : index
      %swap3A_125 = tpu.vector_load %arg10[%swap3A_123, %swap3A_124] {strides = array<i32>} : memref<128x64xf32, #tpu.memory_space<vmem>>, vector<1x16xf32>,
      %swap3A_126 = vector.shape_cast %swap3A_125 : vector<1x16xf32> to vector<1x16xf32>
      %swap3A_127 = vector.shape_cast %get3A_122 : vector<1x16xf32> to vector<1x16xf32>
      tpu.vector_store %arg10[%swap3A_123, %swap3A_124], %swap3A_127 {strides = array<i32>} : memref<128x64xf32, #tpu.memory_space<vmem>>, vector<1x16xf32>,
      %get3A_128 = arith.index_cast %add3A_111 : i32 to index
      %get3A_129 = arith.constant 32 : index
      %get3A_130 = tpu.vector_load %arg8[%get3A_128, %get3A_129] {strides = array<i32>} : memref<128x128xf32, #tpu.memory_space<vmem>>, vector<1x16xf32>,
      %get3A_131 = vector.shape_cast %get3A_130 : vector<1x16xf32> to vector<1x16xf32>
      %swap3A_132 = arith.index_cast %add3A_111 : i32 to index
      %swap3A_133 = arith.constant 32 : index
      %swap3A_134 = tpu.vector_load %arg10[%swap3A_132, %swap3A_133] {strides = array<i32>} : memref<128x64xf32, #tpu.memory_space<vmem>>, vector<1x16xf32>,
      %swap3A_135 = vector.shape_cast %swap3A_134 : vector<1x16xf32> to vector<1x16xf32>
      %swap3A_136 = vector.shape_cast %get3A_131 : vector<1x16xf32> to vector<1x16xf32>
      tpu.vector_store %arg10[%swap3A_132, %swap3A_133], %swap3A_136 {strides = array<i32>} : memref<128x64xf32, #tpu.memory_space<vmem>>, vector<1x16xf32>,
      %get3A_137 = arith.index_cast %add3A_111 : i32 to index
      %get3A_138 = arith.constant 48 : index
      %get3A_139 = tpu.vector_load %arg8[%get3A_137, %get3A_138] {strides = array<i32>} : memref<128x128xf32, #tpu.memory_space<vmem>>, vector<1x16xf32>,
      %get3A_140 = vector.shape_cast %get3A_139 : vector<1x16xf32> to vector<1x16xf32>
      %swap3A_141 = arith.index_cast %add3A_111 : i32 to index
      %swap3A_142 = arith.constant 48 : index
      %swap3A_143 = tpu.vector_load %arg10[%swap3A_141, %swap3A_142] {strides = array<i32>} : memref<128x64xf32, #tpu.memory_space<vmem>>, vector<1x16xf32>,
      %swap3A_144 = vector.shape_cast %swap3A_143 : vector<1x16xf32> to vector<1x16xf32>
      %swap3A_145 = vector.shape_cast %get3A_140 : vector<1x16xf32> to vector<1x16xf32>
      tpu.vector_store %arg10[%swap3A_141, %swap3A_142], %swap3A_145 {strides = array<i32>} : memref<128x64xf32, #tpu.memory_space<vmem>>, vector<1x16xf32>,
    }
    %scan3A_76 = arith.constant 128 : i32
    %dma_start3A_77 = arith.constant 0 : i32
    %dma_start3A_78 = tpu.memref_slice %arg4[%add3A_15, %dma_start3A_77] : memref<16384x64xf32, #tpu.memory_space<hbm>> -> memref<128x64xf32, #tpu.memory_space<hbm>>
    %dma_start3A_79 = arith.constant 0 : i32
    %dma_start3A_80 = tpu.memref_slice %arg4[%add3A_15, %dma_start3A_79] : memref<16384x64xf32, #tpu.memory_space<hbm>> -> memref<128x64xf32, #tpu.memory_space<hbm>>
    tpu.enqueue_dma source(%arg10 : memref<128x64xf32, #tpu.memory_space<vmem>>) target(%dma_start3A_80 : memref<128x64xf32, #tpu.memory_space<hbm>>) target_semaphore(%arg17 : memref<!tpu.dma_semaphore, #tpu.memory_space<semaphore_mem>>)
    %dma_wait3A_81 = arith.constant 384 : i32
    %dma_wait3A_82 = tpu.memref_slice %arg5[%dma_wait3A_81] : memref<512xi32, #tpu.memory_space<vmem>> -> memref<128xi32, #tpu.memory_space<vmem>>
    %dma_wait3A_83 = arith.constant 0 : i32
    %dma_wait3A_84 = arith.constant 0 : i32
    %dma_wait3A_85 = tpu.memref_slice %arg12[%dma_wait3A_83, %dma_wait3A_84] : memref<1000x128xf32, #tpu.memory_space<vmem_shared>> -> memref<1000x128xf32, #tpu.memory_space<vmem_shared>>
    tpu.wait_indirect_dma semaphore(%arg16 : memref<!tpu.dma_semaphore, #tpu.memory_space<semaphore_mem>>) src(%dma_wait3A_85 : memref<1000x128xf32, #tpu.memory_space<vmem_shared>>) dst(%arg9 : memref<128x128xf32, #tpu.memory_space<vmem>>)
    %dma_wait3A_86 = arith.constant 0 : i32
    %dma_wait3A_87 = tpu.memref_slice %arg4[%add3A_13, %dma_wait3A_86] : memref<16384x64xf32, #tpu.memory_space<hbm>> -> memref<128x64xf32, #tpu.memory_space<hbm>>
    %dma_wait3A_88 = arith.constant 0 : i32
    %dma_wait3A_89 = tpu.memref_slice %arg4[%add3A_13, %dma_wait3A_88] : memref<16384x64xf32, #tpu.memory_space<hbm>> -> memref<128x64xf32, #tpu.memory_space<hbm>>
    tpu.wait_dma2 semaphore(%arg18 : memref<!tpu.dma_semaphore, #tpu.memory_space<semaphore_mem>>) src(%arg11 : memref<128x64xf32, #tpu.memory_space<vmem>>) dst(%dma_wait3A_89 : memref<128x64xf32, #tpu.memory_space<hbm>>)
    %scan3A_90 = arith.constant 0 : i32
    %scan3A_91 = arith.constant 128 : i32
    %scan3A_92 = arith.addi %scan3A_90, %scan3A_91 : i32
    %scan3A_93 = arith.constant 1 : i32
    scf.for %scan3A_107 = %scan3A_90 to %scan3A_92 step %scan3A_93  : i32 {
      %mul3A_108 = arith.constant 1 : i32
      %mul3A_109 = arith.muli %scan3A_107, %mul3A_108 : i32
      %add3A_110 = arith.constant 0 : i32
      %add3A_111 = arith.addi %add3A_110, %mul3A_109 : i32
      %get3A = arith.index_cast %add3A_111 : i32 to index
      %get3A_112 = arith.constant 0 : index
      %get3A_113 = tpu.vector_load %arg9[%get3A, %get3A_112] {strides = array<i32>} : memref<128x128xf32, #tpu.memory_space<vmem>>, vector<1x16xf32>,
      %get3A_114 = vector.shape_cast %get3A_113 : vector<1x16xf32> to vector<1x16xf32>
      %swap3A = arith.index_cast %add3A_111 : i32 to index
      %swap3A_115 = arith.constant 0 : index
      %swap3A_116 = tpu.vector_load %arg11[%swap3A, %swap3A_115] {strides = array<i32>} : memref<128x64xf32, #tpu.memory_space<vmem>>, vector<1x16xf32>,
      %swap3A_117 = vector.shape_cast %swap3A_116 : vector<1x16xf32> to vector<1x16xf32>
      %swap3A_118 = vector.shape_cast %get3A_114 : vector<1x16xf32> to vector<1x16xf32>
      tpu.vector_store %arg11[%swap3A, %swap3A_115], %swap3A_118 {strides = array<i32>} : memref<128x64xf32, #tpu.memory_space<vmem>>, vector<1x16xf32>,
      %get3A_119 = arith.index_cast %add3A_111 : i32 to index
      %get3A_120 = arith.constant 16 : index
      %get3A_121 = tpu.vector_load %arg9[%get3A_119, %get3A_120] {strides = array<i32>} : memref<128x128xf32, #tpu.memory_space<vmem>>, vector<1x16xf32>,
      %get3A_122 = vector.shape_cast %get3A_121 : vector<1x16xf32> to vector<1x16xf32>
      %swap3A_123 = arith.index_cast %add3A_111 : i32 to index
      %swap3A_124 = arith.constant 16 : index
      %swap3A_125 = tpu.vector_load %arg11[%swap3A_123, %swap3A_124] {strides = array<i32>} : memref<128x64xf32, #tpu.memory_space<vmem>>, vector<1x16xf32>,
      %swap3A_126 = vector.shape_cast %swap3A_125 : vector<1x16xf32> to vector<1x16xf32>
      %swap3A_127 = vector.shape_cast %get3A_122 : vector<1x16xf32> to vector<1x16xf32>
      tpu.vector_store %arg11[%swap3A_123, %swap3A_124], %swap3A_127 {strides = array<i32>} : memref<128x64xf32, #tpu.memory_space<vmem>>, vector<1x16xf32>,
      %get3A_128 = arith.index_cast %add3A_111 : i32 to index
      %get3A_129 = arith.constant 32 : index
      %get3A_130 = tpu.vector_load %arg9[%get3A_128, %get3A_129] {strides = array<i32>} : memref<128x128xf32, #tpu.memory_space<vmem>>, vector<1x16xf32>,
      %get3A_131 = vector.shape_cast %get3A_130 : vector<1x16xf32> to vector<1x16xf32>
      %swap3A_132 = arith.index_cast %add3A_111 : i32 to index
      %swap3A_133 = arith.constant 32 : index
      %swap3A_134 = tpu.vector_load %arg11[%swap3A_132, %swap3A_133] {strides = array<i32>} : memref<128x64xf32, #tpu.memory_space<vmem>>, vector<1x16xf32>,
      %swap3A_135 = vector.shape_cast %swap3A_134 : vector<1x16xf32> to vector<1x16xf32>
      %swap3A_136 = vector.shape_cast %get3A_131 : vector<1x16xf32> to vector<1x16xf32>
      tpu.vector_store %arg11[%swap3A_132, %swap3A_133], %swap3A_136 {strides = array<i32>} : memref<128x64xf32, #tpu.memory_space<vmem>>, vector<1x16xf32>,
      %get3A_137 = arith.index_cast %add3A_111 : i32 to index
      %get3A_138 = arith.constant 48 : index
      %get3A_139 = tpu.vector_load %arg9[%get3A_137, %get3A_138] {strides = array<i32>} : memref<128x128xf32, #tpu.memory_space<vmem>>, vector<1x16xf32>,
      %get3A_140 = vector.shape_cast %get3A_139 : vector<1x16xf32> to vector<1x16xf32>
      %swap3A_141 = arith.index_cast %add3A_111 : i32 to index
      %swap3A_142 = arith.constant 48 : index
      %swap3A_143 = tpu.vector_load %arg11[%swap3A_141, %swap3A_142] {strides = array<i32>} : memref<128x64xf32, #tpu.memory_space<vmem>>, vector<1x16xf32>,
      %swap3A_144 = vector.shape_cast %swap3A_143 : vector<1x16xf32> to vector<1x16xf32>
      %swap3A_145 = vector.shape_cast %get3A_140 : vector<1x16xf32> to vector<1x16xf32>
      tpu.vector_store %arg11[%swap3A_141, %swap3A_142], %swap3A_145 {strides = array<i32>} : memref<128x64xf32, #tpu.memory_space<vmem>>, vector<1x16xf32>,
    }
    %scan3A_94 = arith.constant 128 : i32
    %dma_start3A_95 = arith.constant 0 : i32
    %dma_start3A_96 = tpu.memref_slice %arg4[%add3A_17, %dma_start3A_95] : memref<16384x64xf32, #tpu.memory_space<hbm>> -> memref<128x64xf32, #tpu.memory_space<hbm>>
    %dma_start3A_97 = arith.constant 0 : i32
    %dma_start3A_98 = tpu.memref_slice %arg4[%add3A_17, %dma_start3A_97] : memref<16384x64xf32, #tpu.memory_space<hbm>> -> memref<128x64xf32, #tpu.memory_space<hbm>>
    tpu.enqueue_dma source(%arg11 : memref<128x64xf32, #tpu.memory_space<vmem>>) target(%dma_start3A_98 : memref<128x64xf32, #tpu.memory_space<hbm>>) target_semaphore(%arg18 : memref<!tpu.dma_semaphore, #tpu.memory_space<semaphore_mem>>)
    %dma_wait3A_99 = arith.constant 0 : i32
    %dma_wait3A_100 = tpu.memref_slice %arg4[%add3A_15, %dma_wait3A_99] : memref<16384x64xf32, #tpu.memory_space<hbm>> -> memref<128x64xf32, #tpu.memory_space<hbm>>
    %dma_wait3A_101 = arith.constant 0 : i32
    %dma_wait3A_102 = tpu.memref_slice %arg4[%add3A_15, %dma_wait3A_101] : memref<16384x64xf32, #tpu.memory_space<hbm>> -> memref<128x64xf32, #tpu.memory_space<hbm>>
    tpu.wait_dma2 semaphore(%arg17 : memref<!tpu.dma_semaphore, #tpu.memory_space<semaphore_mem>>) src(%arg10 : memref<128x64xf32, #tpu.memory_space<vmem>>) dst(%dma_wait3A_102 : memref<128x64xf32, #tpu.memory_space<hbm>>)
    %dma_wait3A_103 = arith.constant 0 : i32
    %dma_wait3A_104 = tpu.memref_slice %arg4[%add3A_17, %dma_wait3A_103] : memref<16384x64xf32, #tpu.memory_space<hbm>> -> memref<128x64xf32, #tpu.memory_space<hbm>>
    %dma_wait3A_105 = arith.constant 0 : i32
    %dma_wait3A_106 = tpu.memref_slice %arg4[%add3A_17, %dma_wait3A_105] : memref<16384x64xf32, #tpu.memory_space<hbm>> -> memref<128x64xf32, #tpu.memory_space<hbm>>
    tpu.wait_dma2 semaphore(%arg18 : memref<!tpu.dma_semaphore, #tpu.memory_space<semaphore_mem>>) src(%arg11 : memref<128x64xf32, #tpu.memory_space<vmem>>) dst(%dma_wait3A_106 : memref<128x64xf32, #tpu.memory_space<hbm>>)
    return
  }
}

module attributes {stable_mosaic.version = 14 : i64} {
  func.func @_tc_body(%arg0: i32, %arg1: memref<2048x1000xf32, #tpu.memory_space<vmem>>, %arg2: memref<1000x64xf32, #tpu.memory_space<vmem>>, %arg3: memref<2048xi32, #tpu.memory_space<vmem>>, %arg4: memref<1000x128xf32, #tpu.memory_space<vmem>>) attributes {dimension_semantics = [#tpu.dimension_semantics<arbitrary>], iteration_bounds = array<i64: 8>, scalar_prefetch = 0 : i64, scratch_operands = 0 : i64, tpu.core_type = #tpu.core_type<tc>, window_params = [{transform_indices = @transform_0, window_bounds = array<i64: 2048, 1000>}, {pipeline_mode = #tpu.pipeline_mode<synchronous>, transform_indices = @transform_1, window_bounds = array<i64: 1000, 64>}, {transform_indices = @transform_2, window_bounds = array<i64: 2048>}, {pipeline_mode = #tpu.pipeline_mode<synchronous>, transform_indices = @transform_3, window_bounds = array<i64: 1000, 128>}]} {
    %get3A = arith.constant 0 : index
    %get3A_0 = arith.constant 0 : index
    %get3A_1 = vector.load %arg1[%get3A, %get3A_0] : memref<2048x1000xf32, #tpu.memory_space<vmem>>, vector<2048x1000xf32>
    %reduce_max3A = arith.constant dense<0xFF800000> : vector<2048xf32>
    %reduce_max3A_2 = vector.multi_reduction <maximumf>, %get3A_1, %reduce_max3A [1] : vector<2048x1000xf32> to vector<2048xf32>
    %broadcast_in_dim3A = vector.shape_cast %reduce_max3A_2 : vector<2048xf32> to vector<2048x1xf32>
    %iota3A = tpu.iota {dimensions = array<i32: 1>} : vector<2048x1000xi32>
    %eq3A = vector.broadcast %broadcast_in_dim3A : vector<2048x1xf32> to vector<2048x1000xf32>
    %eq3A_3 = arith.cmpf oeq, %get3A_1, %eq3A : vector<2048x1000xf32>
    %jit3A = arith.constant 1000 : i32
    %broadcast_in_dim3A_4 = vector.broadcast %jit3A : i32 to vector<2048x1000xi32>
    %select_n3A = arith.select %eq3A_3, %iota3A, %broadcast_in_dim3A_4 : vector<2048x1000xi1>, vector<2048x1000xi32>
    %reduce_min3A = arith.constant dense<2147483647> : vector<2048xi32>
    %reduce_min3A_5 = vector.multi_reduction <minsi>, %select_n3A, %reduce_min3A [1] : vector<2048x1000xi32> to vector<2048xi32>
    %swap3A = arith.constant 0 : index
    %swap3A_6 = vector.load %arg3[%swap3A] : memref<2048xi32, #tpu.memory_space<vmem>>, vector<2048xi32>
    tpu.vector_store %arg3[%swap3A], %reduce_min3A_5 {strides = array<i32>} : memref<2048xi32, #tpu.memory_space<vmem>>, vector<2048xi32>,
    %eq3A_7 = arith.constant 0 : i32
    %eq3A_8 = arith.cmpi eq, %arg0, %eq3A_7 : i32
    %convert_element_type3A = arith.extui %eq3A_8 : i1 to i32
    %cond3A = arith.constant 0 : i32
    %cond3A_9 = arith.cmpi ne, %convert_element_type3A, %cond3A : i32
    scf.if %cond3A_9 {
      %get3A_10 = arith.constant 0 : index
      %get3A_11 = arith.constant 0 : index
      %get3A_12 = vector.load %arg2[%get3A_10, %get3A_11] : memref<1000x64xf32, #tpu.memory_space<vmem>>, vector<1000x64xf32>
      %reduce_max3A_13 = arith.constant dense<0xFF800000> : vector<1000xf32>
      %reduce_max3A_14 = vector.multi_reduction <maximumf>, %get3A_12, %reduce_max3A_13 [1] : vector<1000x64xf32> to vector<1000xf32>
      %broadcast_in_dim3A_15 = vector.shape_cast %reduce_max3A_14 : vector<1000xf32> to vector<1000x1xf32>
      %sub3A = vector.broadcast %broadcast_in_dim3A_15 : vector<1000x1xf32> to vector<1000x64xf32>
      %sub3A_16 = arith.subf %get3A_12, %sub3A : vector<1000x64xf32>
      %exp3A = math.exp %sub3A_16 : vector<1000x64xf32>
      %reduce_sum3A = arith.constant dense<0.000000e+00> : vector<1000xf32>
      %reduce_sum3A_17 = vector.multi_reduction <add>, %exp3A, %reduce_sum3A [1] : vector<1000x64xf32> to vector<1000xf32>
      %broadcast_in_dim3A_18 = vector.shape_cast %reduce_sum3A_17 : vector<1000xf32> to vector<1000x1xf32>
      %div3A = vector.broadcast %broadcast_in_dim3A_18 : vector<1000x1xf32> to vector<1000x64xf32>
      %div3A_19 = arith.divf %exp3A, %div3A : vector<1000x64xf32>
      %broadcast_in_dim3A_20 = arith.constant 0.000000e+00 : f32
      %broadcast_in_dim3A_21 = vector.broadcast %broadcast_in_dim3A_20 : f32 to vector<1000x64xf32>
      %concatenate3A = tpu.concatenate %div3A_19, %broadcast_in_dim3A_21 in 1 : vector<1000x64xf32>, vector<1000x64xf32> -> vector<1000x128xf32>
      %swap3A_22 = arith.constant 0 : index
      %swap3A_23 = arith.constant 0 : index
      %swap3A_24 = vector.load %arg4[%swap3A_22, %swap3A_23] : memref<1000x128xf32, #tpu.memory_space<vmem>>, vector<1000x128xf32>
      tpu.vector_store %arg4[%swap3A_22, %swap3A_23], %concatenate3A {strides = array<i32>} : memref<1000x128xf32, #tpu.memory_space<vmem>>, vector<1000x128xf32>,
    } else {
    }
    return
  }
  func.func @transform_0(%arg0: i32) -> (i32, i32) {
    %c0_i32 = arith.constant 0 : i32
    %c0_i32_0 = arith.constant 0 : i32
    return %arg0, %c0_i32 : i32, i32
  }
  func.func @transform_1(%arg0: i32) -> (i32, i32) {
    %c0_i32 = arith.constant 0 : i32
    %c0_i32_0 = arith.constant 0 : i32
    %c0_i32_1 = arith.constant 0 : i32
    return %c0_i32, %c0_i32_0 : i32, i32
  }
  func.func @transform_2(%arg0: i32) -> i32 {
    %c0_i32 = arith.constant 0 : i32
    return %arg0 : i32
  }
  func.func @transform_3(%arg0: i32) -> (i32, i32) {
    %c0_i32 = arith.constant 0 : i32
    %c0_i32_0 = arith.constant 0 : i32
    %c0_i32_1 = arith.constant 0 : i32
    return %c0_i32, %c0_i32_0 : i32, i32
  }
}

</mosaic_0001>

<sc_bundles>
// kernel: kernel.4.cloned.1.call-start
scs
__scs_entry_jumppad:
0x0: {  	(pc) =	sbr.rel $0x88, $3  }
0x1: {  	(tag) =	ssettag $0x0;
	lr =	simm.s32 $0x1  }
0x2: {  	[smem:$0x3F9F] =	sst lr;
	_ =	strace $0xD0000000  }
0x3: {  	_ = 	snop  }
0x4: {  	_ = 	snop  }
0x5: {  	_ = 	snop  }
0x6: {  	_ = 	snop  }
0x7: {  	_ = 	snop  }
__scs_overlays_trampoline_lowered:
0x8: {  	[smem:$0x3FAE] =	sst s0  }
0x9: {  	[smem:$0x3FAF] =	sst s1  }
0xa: {  	[smem:$0x3FB0] =	sst s2  }
0xb: {  	[smem:$0x3FB1] =	sst s3  }
0xc: {  	[smem:$0x3FB2] =	sst s4  }
0xd: {  	[smem:$0x3FB3] =	sst s5  }
0xe: {  	[smem:$0x3FB4] =	sst s6  }
0xf: {  	[smem:$0x3FB5] =	sst s7  }
0x10: {  	[smem:$0x3FB6] =	sst s8  }
0x11: {  	[smem:$0x3FB7] =	sst s9;
	s0 =	simm.s32 @!p0 $0x0  }
0x12: {  	s1 =	sld [smem:$0x3F9D];
	s0 =	simm.s32 @p0 $0x1  }
0x13: {  	[smem:$0x3FB8] =	sst s0;
	s0 =	simm.s32 @!p1 $0x0  }
0x14: {  	s2 =	sld [smem:$0x3F9C];
	s0 =	simm.s32 @p1 $0x1  }
0x15: {  	[smem:$0x3FB9] =	sst s0;
	s0 =	simm.s32 @!p2 $0x0  }
0x16: {  	s3 =	sld [smem:$0x3FDB];
	s0 =	simm.s32 @p2 $0x1  }
0x17: {  	s4 =	simm.s32 $0x1BF5;
	[smem:$0x3FBB] =	sst s0  }
0x18: {  	s0 =	sld [smem:$0x3F9E];
	_ =	swait.ge [sflag:s4], $0x0  }
0x19: {  	s7 =	sld [smem:$0x3F9F]  }
0x1a: {  	s8 =	sadd.s32 $0xFFFFE003, lr  }
0x1b: {  	s9 =	sadd.s32 $0xFFFFFEF7, lr;
	s5 =	simm.s32 $0xFFFFFFFF;
	p2 =	slt.u32 s8, $0xFFFFF086  }
0x1c: {  	p1 =	slt.u32 s9, $0xF7A;
	s5 =	simm.s32 @!p2 $0x0  }
0x1d: {  	s5 =	simm.s32 @p1 $0x1;
	p0 =	seq.s32 s7, s2  }
0x1e: {  	s7 =	smul.u32 @!p0 $0xF7A, s2;
	p2 =	seq.s32 @!p0 s5, $0x0  }
0x1f: {  	s9 =	smul.u32 $0xF7A, s1;
	s8 =	simm.s32 @!p0 $0x1BF5;
	p2 =	por !p2, p0  }
0x20: {  	[sflag:s8] =	ssyncset.s32 @!p0 $0xFFFFF086;
	s6 =	sadd.s32 @!p0 s3, s7;
	s7 =	simm.s32 @!p0 $0x108  }
0x21: {  	s3 =	sadd.s32 s3, s9;
	s6 =	sadd.s32 @!p0 $0x88, s6;
	s7 =	simm.s32 @p2 $0x1082  }
0x22: {  	[simem:s7], [sflag:s8] =	dma.local @!p0 [hbm:s6], $0xF7A  }
0x23: {  	s9 =	sor.u32 $0xD0000000, s2;
	s6 =	simm.s32 $0x108;
	_ =	swait.ge @!p0 [sflag:s8], $0x0  }
0x24: {  	s3 =	sadd.s32 $0x88, s3;
	s6 =	simm.s32 @!p1 $0x1082;
	[sflag:s4] =	ssyncset.s32 $0xFFFFF086  }
0x25: {  	[simem:s6], [sflag:s4] =	dma.local [hbm:s3], $0xF7A  }
0x26: {  	[smem:$0x3F9F] =	sst s1;
	(tag) =	ssettag s2;
	_ =	strace s9  }
0x27: {  	s1 =	sld [smem:$0x3FAF]  }
0x28: {  	s2 =	sld [smem:$0x3FB0]  }
0x29: {  	s4 =	sld [smem:$0x3FB2]  }
0x2a: {  	p0 =	seq.s32 s5, $0x0;
	s5 =	sld [smem:$0x3FB3]  }
0x2b: {  	s6 =	sld [smem:$0x3FB4]  }
0x2c: {  	s7 =	sld [smem:$0x3FB5]  }
0x2d: {  	s3 =	simm.s32 $0x108;
	s8 =	sld [smem:$0x3FB6]  }
0x2e: {  	s3 =	simm.s32 @!p0 $0x1082;
	s9 =	sld [smem:$0x3FB7]  }
0x2f: {  	lr =	sadd.s32 s0, s3;
	s0 =	sld [smem:$0x3FAE]  }
0x30: {  	s3 =	sld [smem:$0x3FB1]  }
0x31: {  	[smem:$0x3FBA] =	sst s10  }
0x32: {  	s10 =	sld [smem:$0x3FB8];
	_ =	sdelay $0x3  }
0x33: {  	p0 =	seq.s32 s10, $0x1;
	s10 =	sld [smem:$0x3FBA];
	_ =	sdelay $0x3  }
0x34: {  	[smem:$0x3FBA] =	sst s10  }
0x35: {  	s10 =	sld [smem:$0x3FB9];
	_ =	sdelay $0x3  }
0x36: {  	p1 =	seq.s32 s10, $0x1;
	s10 =	sld [smem:$0x3FBA];
	_ =	sdelay $0x3  }
0x37: {  	[smem:$0x3FBA] =	sst s10  }
0x38: {  	s10 =	sld [smem:$0x3FBB]  }
0x39: {  	_ = 	snop;
	(pc) =	sbr.ind lr, $3  }
0x3a: {  	_ = 	snop  }
0x3b: {  	_ = 	snop  }
0x3c: {  	p2 =	seq.s32 s10, $0x1;
	s10 =	sld [smem:$0x3FBA]  }
0x3d: {  	_ =	shalt  }
0x3e: {  	_ =	shalt  }
0x3f: {  	_ =	shalt  }
0x40: {  	_ =	shalt  }
0x41: {  	_ =	shalt  }
0x42: {  	_ =	shalt  }
0x43: {  	_ =	shalt  }
0x44: {  	_ =	shalt  }
0x45: {  	_ =	shalt  }
0x46: {  	_ =	shalt  }
0x47: {  	_ =	shalt  }
0x48: {  	_ =	shalt  }
0x49: {  	_ =	shalt  }
0x4a: {  	_ =	shalt  }
0x4b: {  	_ =	shalt  }
0x4c: {  	_ =	shalt  }
0x4d: {  	_ =	shalt  }
0x4e: {  	_ =	shalt  }
0x4f: {  	_ =	shalt  }
0x50: {  	_ =	shalt  }
0x51: {  	_ =	shalt  }
0x52: {  	_ =	shalt  }
0x53: {  	_ =	shalt  }
0x54: {  	_ =	shalt  }
0x55: {  	_ =	shalt  }
0x56: {  	_ =	shalt  }
0x57: {  	_ =	shalt  }
0x58: {  	_ =	shalt  }
0x59: {  	_ =	shalt  }
0x5a: {  	_ =	shalt  }
0x5b: {  	_ =	shalt  }
0x5c: {  	_ =	shalt  }
0x5d: {  	_ =	shalt  }
0x5e: {  	_ =	shalt  }
0x5f: {  	_ =	shalt  }
0x60: {  	_ =	shalt  }
0x61: {  	_ =	shalt  }
0x62: {  	_ =	shalt  }
0x63: {  	_ =	shalt  }
0x64: {  	_ =	shalt  }
0x65: {  	_ =	shalt  }
0x66: {  	_ =	shalt  }
0x67: {  	_ =	shalt  }
0x68: {  	_ =	shalt  }
0x69: {  	_ =	shalt  }
0x6a: {  	_ =	shalt  }
0x6b: {  	_ =	shalt  }
0x6c: {  	_ =	shalt  }
0x6d: {  	_ =	shalt  }
0x6e: {  	_ =	shalt  }
0x6f: {  	_ =	shalt  }
0x70: {  	_ =	shalt  }
0x71: {  	_ =	shalt  }
0x72: {  	_ =	shalt  }
0x73: {  	_ =	shalt  }
0x74: {  	_ =	shalt  }
0x75: {  	_ =	shalt  }
0x76: {  	_ =	shalt  }
0x77: {  	_ =	shalt  }
0x78: {  	_ =	shalt  }
0x79: {  	_ =	shalt  }
0x7a: {  	_ =	shalt  }
0x7b: {  	_ =	shalt  }
0x7c: {  	_ =	shalt  }
0x7d: {  	_ =	shalt  }
0x7e: {  	_ =	shalt  }
0x7f: {  	_ =	shalt  }
0x80: {  	_ =	shalt  }
0x81: {  	_ =	shalt  }
0x82: {  	_ =	shalt  }
0x83: {  	_ =	shalt  }
0x84: {  	_ =	shalt  }
0x85: {  	_ =	shalt  }
0x86: {  	_ =	shalt  }
0x87: {  	_ =	shalt  }
.Lfunc_end0:
.L_simem_size_0:
called_computation_lowered:
.L_overlay_start_0:
0x88: {  	s2 =	sld [smem:$0x3FD9]  }
0x89: {  	s3 =	sld [smem:$0x3FFE];
	_ =	sdelay $0x1  }
0x8a: {  	s1 =	srdreg.scid  }
0x8b: {  	s0 =	sand.u32 $0x1, s1  }
0x8c: {  	s17 =	sshll.u32 s0, $0xA;
	s2 =	sadd.s32 s3, s2  }
0x8d: {  	s2 =	sadd.s32 s2, s17  }
0x8e: {  	[smem:$0x3FC6] =	sst s2  }
0x8f: {  	_ = 	snop  }
0x90: {  	s2 =	sld [smem:$0x3FD0];
	(tm) =	ssettm $0x1  }
0x91: {  	s18 =	sld [smem:$0x3FFB];
	_ =	sdelay $0x3  }
0x92: {  	_ =	strace s18  }
0x93: {  	s3 =	sld [smem:$0x3FFC];
	_ =	sdelay $0x3  }
0x94: {  	_ =	strace s3  }
0x95: {  	s3 =	sld [smem:$0x3FFD];
	_ =	sdelay $0x3  }
0x96: {  	_ =	strace s3  }
0x97: {  	_ =	strace $0x8FFFFFFF  }
0x98: {  	s19 =	sld [smem:$0x3FDB];
	_ =	sdelay $0x1  }
0x99: {  	s4 =	simm.s32 $_scs_section_size  }
0x9a: {  	s5 =	simm.s32 $_size__tile_overlayer_lowered;
	s6 =	simm.s32 $_tile_overlayer_lowered  }
0x9b: {  	s22 =	simm.s32 $0x1BFF;
	s21 =	sshll.u32 s6, $0x1;
	s3 =	sadd.s32 s4, s19  }
0x9c: {  	s7 =	simm.s32 $0x0;
	s20 =	sshll.u32 s5, $0x1;
	s5 =	sadd.s32 s21, s3  }
0x9d: {  	[timem:s7], [sflag:s22] =	dma.local [hbm:s5], s20  }
0x9e: {  	_ =	swait.ge [sflag:s22], s20  }
0x9f: {  	s4 =	ssub.s32 $0x0, s20;
	[sflag:s22] =	ssyncset.done $0x0  }
0xa0: {  	[sflag:s22] =	ssyncadd.s32 s4;
	_ =	sdelay $0x1  }
0xa1: {  	s23 =	simm.s32 $0x1B8B  }
0xa2: {  	_ =	swait.ge [sflag:s23], $0x1  }
0xa3: {  	[sflag:s23] =	ssyncset.done $0x0  }
0xa4: {  	s25 =	simm.s32 $0x1B8E;
	s24 =	sld [smem:$0x3FFE];
	[sflag:s23] =	ssyncadd.s32 $0xFFFFFFFF  }
0xa5: {  	s26 =	simm.s32 $execute0_lowered;
	[smem:$0x3FD2] =	sst s25  }
0xa6: {  	s5 =	sshll.u32 s26, $0x1;
	_ =	strace $0x80000046;
	[dreg:$0x1] =	wrdreg $0xFFFFFFFF  }
0xa7: {  	s28 =	simm.s32 $_size_execute0_lowered;
	s3 =	sadd.s32 s3, s5;
	[dreg:$0x0] =	wrdreg $0x0  }
0xa8: {  	s5 =	sshll.u32 s28, $0x1;
	[dreg:$0x2] =	wrdreg s3  }
0xa9: {  	[dreg:$0x3] =	wrdreg s5  }
0xaa: {  	[dreg:$0x4] =	wrdreg $0xC0  }
0xab: {  	_ =	task [dreg:s7], $0x5FFFF  }
0xac: {  	[dreg:$0x1] =	wrdreg $0xFFFFFFFF  }
0xad: {  	[dreg:$0x0] =	wrdreg $0x60  }
0xae: {  	[dreg:$0x2] =	wrdreg s2  }
0xaf: {  	[dreg:$0x3] =	wrdreg s24  }
0xb0: {  	[dreg:$0x4] =	wrdreg $0x182000  }
0xb1: {  	[dreg:$0x5] =	wrdreg $0x9  }
0xb2: {  	_ =	task.clear_ibuf [dreg:s7], $0x6FFFF;
	_ =	strace $0x90000046  }
0xb3: {  	s29 =	simm.s32 $0x9;
	_ =	strace $0x80000048  }
0xb4: {  	_ =	swait.ge [sflag:s29], $0x1  }
0xb5: {  	[sflag:s29] =	ssyncadd.s32 $0xFFFFFFFF  }
0xb6: {  	_ =	strace $0x90000048  }
0xb7: {  	_ =	sfence  }
0xb8: {  	s30 =	sld [smem:$0x0];
	_ =	sdelay $0x2  }
0xb9: {  	s31 =	sshll.u32 s1, $0xD;
	s1 =	sshrl.u32 s1, $0x2  }
0xba: {  	s3 =	sand.u32 $0x4000, s31;
	s1 =	sadd.s32 s1, s30  }
0xbb: {  	s0 =	sor.u32 s3, s0;
	s1 =	sshll.u32 s1, $0x11  }
0xbc: {  	s0 =	sor.u32 s1, s0  }
0xbd: {  	s0 =	sadd.s32 $0x8F2B, s0  }
0xbe: {  	[sflag:s0] =	ssyncadd.remote.s32 $0x1  }
0xbf: {  	_ =	sfence.sel $0xFFFF  }
0xc0: {  	[dreg:$0x0] =	wrdreg $0xFFFFFFFF;
	(pc) =	sbr.abs _section_cstart, $3  }
0xc1: {  	[dreg:$0x1] =	wrdreg $0xFFFFFFFF  }
0xc2: {  	_ =	task.clear_ibuf [dreg:s7], $0x2FFFF;
	_ =	strace $0x9FFFFFFF  }
0xc3: {  	(tm) =	ssettm $0x7FFFFFFF  }
tec
execute0_lowered:
.L_overlay_start_1:
0x0: {  	(tag) =	ssettag $0x1  }
0x1: {  	s1 =	rddreg [dreg:$0x0]  }
0x2: {  	s4 =	rddreg [dreg:$0x1]  }
0x3: {  	s2 =	rddreg [dreg:$0x2]  }
0x4: {  	s0 =	rddreg [dreg:$0x3]  }
0x5: {  	s5 =	srdreg.scid;
	s3 =	simm.s32 $0x0;
	s10 =	stileid.u32  }
0x6: {  	s13 =	simm.s32 $0x200;
	s14 =	simm.s32 $0x4200;
	s15 =	simm.s32 $0x100  }
0x7: {  	s16 =	simm.s32 $0x8200;
	s17 =	simm.s32 $0x180;
	s18 =	simm.s32 $0xC200  }
0x8: {  	s19 =	simm.s32 $0x1;
	s20 =	simm.s32 $0x10200;
	s21 =	simm.s32 $0x2  }
0x9: {  	s22 =	simm.s32 $0x14200;
	s23 =	simm.s32 $0x3;
	s24 =	simm.s32 $0x5  }
0xa: {  	s25 =	simm.s32 $0x4;
	s26 =	simm.s32 $0x6;
	s28 =	simm.s32 $0x0  }
0xb: {  	s5 =	sand.u32 $0x1, s5;
	[smem:$0x7FF] =	sst s3;
	s6 =	sshll.u32 s10, $0xA  }
0xc: {  	s30 =	sadd.s32 $0xA00, s4;
	p0 =	sne.s32 s10, $0x0;
	s7 =	sshll.u32 s5, $0x9  }
0xd: {  	_ =	strace $0x80000047;
	s9 =	ssub.s32 $0x2, s5;
	s5 =	sshll.u32 s5, $0x6  }
0xe: {  	s6 =	sor.u32 s7, s6;
	s31 =	sshrl.u32 s9, $0x1;
	s5 =	sadd.s32 s30, s5  }
0xf: {  	s8 =	sshll.u32 s6, $0x4;
	s6 =	sshrl.u32 s6, $0x3;
	s12 =	ssub.s32 s9, s31  }
0x10: {  	s11 =	sadd.s32 s8, s4;
	s4 =	sadd.s32 s30, s6;
	s10 =	smax.u32 s12, $0x1  }
0x11: {  	s12 =	simm.s32 $0x80;
	s6 =	sadd.s32 $0x1200, s11;
	s7 =	sadd.s32 $0x1A00, s11  }
0x12: {  	s8 =	sadd.s32 $0x2200, s11;
	s9 =	sadd.s32 $0x2A00, s11;
	s11 =	sshrl.u32 @!p0 s2, $0x3  }
.LBB2_1:
0x13: {  	s29 =	simm.s32 @p0 $0x0  }
0x14: {  	[tilespmem:s29], [sflag:$0x8] =	stream.linear.gather @p0 [hbm4b:s4+s29], $0x200, $0x38;
	[tilespmem:$0x1A140] =	vst v63  }
0x15: {  	s29 =	simm.s32 @p0 $0x8  }
0x16: {  	_ =	swait.ge @p0 [sflag:s29], $0x200  }
0x17: {  	[sflag:s29] =	ssyncset.done @p0 $0x0  }
0x18: {  	[sflag:s29] =	ssyncadd.s32 @p0 $0xFFFFFE00;
	s29 =	simm.s32 @!p0 $0x1C07  }
0x19: {  	[spmem:s11], [sflag:s29] =	dma.local @!p0 [hbm:s1], $0x3E80  }
0x1a: {  	s29 =	simm.s32 @!p0 $0x0  }
0x1b: {  	[tilespmem:s29], [sflag:$0x8] =	stream.linear.gather @!p0 [hbm4b:s5+s29], $0x200, $0x38;
	[tilespmem:$0x1A140] =	vst v63  }
0x1c: {  	s29 =	simm.s32 @!p0 $0x8  }
0x1d: {  	_ =	swait.ge @!p0 [sflag:s29], $0x200  }
0x1e: {  	[sflag:s29] =	ssyncset.done @!p0 $0x0  }
0x1f: {  	[sflag:s29] =	ssyncadd.s32 @!p0 $0xFFFFFE00;
	s29 =	simm.s32 @!p0 $0x7  }
0x20: {  	_ =	swait.ge @!p0 [sflag:s29], $0x3E80  }
0x21: {  	[sflag:s29] =	ssyncset.done @!p0 $0x0  }
0x22: {  	[sflag:s29] =	ssyncadd.s32 @!p0 $0xFFFFC180  }
0x23: {  	[bflag:$0x0] =	sbarrier.arrive $0xFFFF  }
0x24: {  	[tilespmem:s13], [sflag:$0x1] =	stream.indirect.gather [spmem:s2], $0x80, s3, s12, $0xb8;
	[tilespmem:$0x1A140] =	vst v63  }
0x25: {  	_ = 	snop  }
0x26: {  	[tilespmem:s14], [sflag:$0x2] =	stream.indirect.gather [spmem:s2], $0x80, s12, s12, $0xb8;
	[tilespmem:$0x1A140] =	vst v63  }
0x27: {  	_ = 	snop  }
0x28: {  	[tilespmem:s16], [sflag:$0x3] =	stream.indirect.gather [spmem:s2], $0x80, s15, s12, $0xb8;
	[tilespmem:$0x1A140] =	vst v63  }
0x29: {  	_ = 	snop  }
0x2a: {  	[tilespmem:s18], [sflag:$0x4] =	stream.indirect.gather [spmem:s2], $0x80, s17, s12, $0xb8;
	[tilespmem:$0x1A140] =	vst v63  }
0x2b: {  	_ =	swait.ge [sflag:s19], $0x4000  }
0x2c: {  	[sflag:s19] =	ssyncset.done $0x0  }
0x2d: {  	s29 =	simm.s32 $0x0;
	[sflag:s19] =	ssyncadd.s32 $0xFFFFC000  }
0x2e: {  	v0 =	vld [tilespmem:s29+$0x230]  }
0x2f: {  	v1 =	vld [tilespmem:s29+$0x200]  }
0x30: {  	v2 =	vld [tilespmem:s29+$0x210]  }
0x31: {  	s30 =	simm.s32 $0x200;
	v3 =	vld [tilespmem:s29+$0x220]  }
.LBB2_2:
0x32: {  	p1 =	sne.s32 s30, $0xFE00  }
.Ltmp0:
0x33: {  	s31 =	sshra.s32 s30, $0x2;
	s30 =	sadd.s32 $0x200, s30;
	[tilespmem:s29+$0x10230] =	vst v0;
	(pc) =	sbr.rel @p1 .LBB2_2-.Ltmp0, $4  }
0x34: {  	v0 =	vld [tilespmem:s31+$0x230];
	[tilespmem:s29+$0x10200] =	vst v1  }
0x35: {  	v1 =	vld [tilespmem:s31+$0x200];
	[tilespmem:s29+$0x10210] =	vst v2  }
0x36: {  	v2 =	vld [tilespmem:s31+$0x210];
	[tilespmem:s29+$0x10220] =	vst v3;
	s29 =	smov.u32 s31  }
0x37: {  	v3 =	vld [tilespmem:s29+$0x220]  }
0x38: {  	_ = 	snop  }
0x39: {  	[tilespmem:s29+$0x10230] =	vst v0  }
0x3a: {  	[tilespmem:s29+$0x10200] =	vst v1  }
0x3b: {  	[tilespmem:s29+$0x10210] =	vst v2  }
0x3c: {  	[tilespmem:s29+$0x10220] =	vst v3;
	s29 =	simm.s32 $0x0  }
0x3d: {  	[hbm4b:s6+s29] =	stream.linear.scatter [tilespmem:s20], [sflag:$0x5], $0x4000, $0x38;
	[tilespmem:$0x1A140] =	vst v63  }
0x3e: {  	_ =	swait.ge [sflag:s21], $0x4000  }
0x3f: {  	[sflag:s21] =	ssyncset.done $0x0  }
0x40: {  	s29 =	simm.s32 $0x0;
	[sflag:s21] =	ssyncadd.s32 $0xFFFFC000  }
0x41: {  	v0 =	vld [tilespmem:s29+$0x4230]  }
0x42: {  	v1 =	vld [tilespmem:s29+$0x4200]  }
0x43: {  	v2 =	vld [tilespmem:s29+$0x4210]  }
0x44: {  	s30 =	simm.s32 $0x200;
	v3 =	vld [tilespmem:s29+$0x4220]  }
.LBB2_4:
0x45: {  	p1 =	sne.s32 s30, $0xFE00  }
.Ltmp1:
0x46: {  	s31 =	sshra.s32 s30, $0x2;
	s30 =	sadd.s32 $0x200, s30;
	[tilespmem:s29+$0x14230] =	vst v0;
	(pc) =	sbr.rel @p1 .LBB2_4-.Ltmp1, $4  }
0x47: {  	v0 =	vld [tilespmem:s31+$0x4230];
	[tilespmem:s29+$0x14200] =	vst v1  }
0x48: {  	v1 =	vld [tilespmem:s31+$0x4200];
	[tilespmem:s29+$0x14210] =	vst v2  }
0x49: {  	v2 =	vld [tilespmem:s31+$0x4210];
	[tilespmem:s29+$0x14220] =	vst v3;
	s29 =	smov.u32 s31  }
0x4a: {  	v3 =	vld [tilespmem:s29+$0x4220]  }
0x4b: {  	_ = 	snop  }
0x4c: {  	[tilespmem:s29+$0x14230] =	vst v0  }
0x4d: {  	[tilespmem:s29+$0x14200] =	vst v1  }
0x4e: {  	[tilespmem:s29+$0x14210] =	vst v2  }
0x4f: {  	[tilespmem:s29+$0x14220] =	vst v3;
	s29 =	simm.s32 $0x0  }
0x50: {  	[hbm4b:s7+s29] =	stream.linear.scatter [tilespmem:s22], [sflag:$0x6], $0x4000, $0x38;
	[tilespmem:$0x1A140] =	vst v63  }
0x51: {  	_ =	swait.ge [sflag:s23], $0x4000  }
0x52: {  	[sflag:s23] =	ssyncset.done $0x0  }
0x53: {  	[sflag:s23] =	ssyncadd.s32 $0xFFFFC000  }
0x54: {  	_ =	swait.ge [sflag:s24], $0x4000  }
0x55: {  	[sflag:s24] =	ssyncset.done $0x0  }
0x56: {  	s29 =	simm.s32 $0x0;
	[sflag:s24] =	ssyncadd.s32 $0xFFFFC000  }
0x57: {  	v0 =	vld [tilespmem:s29+$0x8230]  }
0x58: {  	v1 =	vld [tilespmem:s29+$0x8200]  }
0x59: {  	v2 =	vld [tilespmem:s29+$0x8210]  }
0x5a: {  	s30 =	simm.s32 $0x200;
	v3 =	vld [tilespmem:s29+$0x8220]  }
.LBB2_6:
0x5b: {  	p1 =	sne.s32 s30, $0xFE00  }
.Ltmp2:
0x5c: {  	s31 =	sshra.s32 s30, $0x2;
	s30 =	sadd.s32 $0x200, s30;
	[tilespmem:s29+$0x10230] =	vst v0;
	(pc) =	sbr.rel @p1 .LBB2_6-.Ltmp2, $4  }
0x5d: {  	v0 =	vld [tilespmem:s31+$0x8230];
	[tilespmem:s29+$0x10200] =	vst v1  }
0x5e: {  	v1 =	vld [tilespmem:s31+$0x8200];
	[tilespmem:s29+$0x10210] =	vst v2  }
0x5f: {  	v2 =	vld [tilespmem:s31+$0x8210];
	[tilespmem:s29+$0x10220] =	vst v3;
	s29 =	smov.u32 s31  }
0x60: {  	v3 =	vld [tilespmem:s29+$0x8220]  }
0x61: {  	_ = 	snop  }
0x62: {  	[tilespmem:s29+$0x10230] =	vst v0  }
0x63: {  	[tilespmem:s29+$0x10200] =	vst v1  }
0x64: {  	[tilespmem:s29+$0x10210] =	vst v2  }
0x65: {  	[tilespmem:s29+$0x10220] =	vst v3;
	s29 =	simm.s32 $0x0  }
0x66: {  	[hbm4b:s8+s29] =	stream.linear.scatter [tilespmem:s20], [sflag:$0x5], $0x4000, $0x38;
	[tilespmem:$0x1A140] =	vst v63  }
0x67: {  	_ =	swait.ge [sflag:s25], $0x4000  }
0x68: {  	[sflag:s25] =	ssyncset.done $0x0  }
0x69: {  	[sflag:s25] =	ssyncadd.s32 $0xFFFFC000  }
0x6a: {  	_ =	swait.ge [sflag:s26], $0x4000  }
0x6b: {  	[sflag:s26] =	ssyncset.done $0x0  }
0x6c: {  	s29 =	simm.s32 $0x0;
	[sflag:s26] =	ssyncadd.s32 $0xFFFFC000  }
0x6d: {  	v0 =	vld [tilespmem:s29+$0xC230]  }
0x6e: {  	v1 =	vld [tilespmem:s29+$0xC200]  }
0x6f: {  	v2 =	vld [tilespmem:s29+$0xC210]  }
0x70: {  	s30 =	simm.s32 $0x200;
	v3 =	vld [tilespmem:s29+$0xC220]  }
.LBB2_8:
0x71: {  	p1 =	sne.s32 s30, $0xFE00  }
.Ltmp3:
0x72: {  	s31 =	sshra.s32 s30, $0x2;
	s30 =	sadd.s32 $0x200, s30;
	[tilespmem:s29+$0x14230] =	vst v0;
	(pc) =	sbr.rel @p1 .LBB2_8-.Ltmp3, $4  }
0x73: {  	v0 =	vld [tilespmem:s31+$0xC230];
	[tilespmem:s29+$0x14200] =	vst v1  }
0x74: {  	v1 =	vld [tilespmem:s31+$0xC200];
	[tilespmem:s29+$0x14210] =	vst v2  }
0x75: {  	v2 =	vld [tilespmem:s31+$0xC210];
	[tilespmem:s29+$0x14220] =	vst v3;
	s29 =	smov.u32 s31  }
0x76: {  	v3 =	vld [tilespmem:s29+$0xC220]  }
0x77: {  	_ = 	snop  }
0x78: {  	[tilespmem:s29+$0x14230] =	vst v0  }
0x79: {  	[tilespmem:s29+$0x14200] =	vst v1  }
0x7a: {  	[tilespmem:s29+$0x14210] =	vst v2  }
0x7b: {  	s28 =	sadd.s32 $0x1, s28;
	[tilespmem:s29+$0x14220] =	vst v3  }
0x7c: {  	[hbm4b:s9+s3] =	stream.linear.scatter [tilespmem:s22], [sflag:$0x6], $0x4000, $0x38;
	[tilespmem:$0x1A140] =	vst v63  }
0x7d: {  	p1 =	sne.s32 s28, s10;
	_ =	swait.ge [sflag:s24], $0x4000  }
.Ltmp4:
0x7e: {  	[sflag:s24] =	ssyncset.done $0x0;
	(pc) =	sbr.rel @p1 .LBB2_1-.Ltmp4, $4  }
0x7f: {  	[sflag:s24] =	ssyncadd.s32 $0xFFFFC000  }
0x80: {  	_ =	swait.ge [sflag:s26], $0x4000  }
0x81: {  	[sflag:s26] =	ssyncset.done $0x0  }
0x82: {  	[sflag:s26] =	ssyncadd.s32 $0xFFFFC000  }
0x83: {  	_ =	sfence.sel $0x180000  }
0x84: {  	[bflag:$0x0] =	sbarrier.arrive $0xFFFF  }
0x85: {  	_ =	strace $0x90000047  }
0x86: {  	s0 =	sadd.s32 @!p0 $0x100000, s0;
	[bflag:$0x2] =	sbarrier.arrive $0xFFFF  }
0x87: {  	[sflag:s0] =	ssyncadd.tile.s32 @!p0 $0x1;
	_ =	shalt  }
.Lfunc_end2:
_tile_overlayer_lowered:
.L_overlay_start_2:
0x88: {  	(tag) =	ssettag $0x2  }
0x89: {  	s0 =	rddreg [dreg:$0x0];
	s2 =	stileid.u32  }
0x8a: {  	s1 =	rddreg [dreg:$0x1];
	p0 =	sne.s32 s2, $0x0  }
0x8b: {  	s3 =	rddreg [dreg:$0x2];
	[bflag:$0x3] =	sbarrier.arrive $0xFFFF;
	s2 =	simm.s32 @!p0 $0x1C08  }
0x8c: {  	[timem:s3], [sflag:s2] =	dma.local @!p0 [hbm:s0], s1  }
0x8d: {  	s0 =	simm.s32 @!p0 $0x8  }
0x8e: {  	_ =	swait.ge @!p0 [sflag:s0], s1  }
0x8f: {  	s1 =	ssub.s32 @!p0 $0x0, s1;
	[sflag:s0] =	ssyncset.done @!p0 $0x0  }
0x90: {  	[sflag:s0] =	ssyncadd.s32 @!p0 s1  }
0x91: {  	[bflag:$0x3] =	sbarrier.arrive $0xFFFF  }
0x92: {  	_ =	shalt  }

</sc_bundles>
